<compile_context>
chip_gen: v7x
topology: tpu7x:2x2x1
jax: 0.10.2.dev20260603
libtpu: 0.0.44.dev20260713+nightly
codegen_flags: <defaults>
</compile_context>

<pallas_src>
import functools

import jax
import jax.numpy as jnp
from jax import lax
from jax.experimental import pallas as pl
from jax.experimental.pallas import tpu as pltpu
from jax.experimental.pallas import tpu_sc as plsc

L = 16
NUM_TYPES = 64


def _scale_shift_call(x, sc, sh, sp, n, chunk, nc, ns):
    iters = chunk // L

    mesh = plsc.VectorSubcoreMesh(core_axis_name="c", subcore_axis_name="s")

    @functools.partial(
        pl.kernel,
        mesh=mesh,
        out_type=jax.ShapeDtypeStruct((1, n), jnp.float32),
        compiler_params=pltpu.CompilerParams(
            needs_layout_passes=False, use_tc_tiling_on_sc=False
        ),
        scratch_types=[
            pltpu.VMEM((chunk,), jnp.int32),
            pltpu.VMEM((chunk,), jnp.float32),
            pltpu.VMEM((chunk,), jnp.float32),
            pltpu.VMEM((NUM_TYPES,), jnp.float32),
            pltpu.VMEM((NUM_TYPES,), jnp.float32),
            pltpu.SemaphoreType.DMA,
        ],
    )
    def run(x_hbm, sc_hbm, sh_hbm, sp_hbm, out_hbm, sp_v, x_v, o_v, sc_v, sh_v, sem):
        wid = lax.axis_index("s") * nc + lax.axis_index("c")
        base = jnp.minimum(wid * chunk, n - chunk)

        cps = [
            pltpu.async_copy(sp_hbm.at[0, pl.ds(base, chunk)], sp_v, sem),
            pltpu.async_copy(x_hbm.at[0, pl.ds(base, chunk)], x_v, sem),
            pltpu.async_copy(sc_hbm.at[0, :], sc_v, sem),
            pltpu.async_copy(sh_hbm.at[0, :], sh_v, sem),
        ]
        for cp in cps:
            cp.wait()

        def body(i, carry):
            sl = pl.ds(i * L, L)
            idx = sp_v[sl]
            s = plsc.load_gather(sc_v, [idx])
            t = plsc.load_gather(sh_v, [idx])
            o_v[sl] = s * x_v[sl] + t
            return carry

        lax.fori_loop(0, iters, body, 0)

        pltpu.sync_copy(o_v, out_hbm.at[0, pl.ds(base, chunk)])

    return run(x, sc, sh, sp)


def kernel(in_field, scales, shifts, species_idx, ptr):
    del ptr
    n = in_field.shape[0]
    x = in_field.reshape(1, n)
    sp = species_idx.reshape(1, n).astype(jnp.int32)

    info = plsc.get_sparse_core_info()
    nc, ns = info.num_cores, info.num_subcores
    nw = nc * ns

    assert n % L == 0
    per_worker = -(-n // nw)
    chunk = -(-per_worker // L) * L
    chunk = min(chunk, n)

    out = _scale_shift_call(x, scales, shifts, sp, n, chunk, nc, ns)
    return out.reshape(n, 1)

# --- scband reference (transcript-rebuilt; emitter-appended) ---
"""Pipeline reference for scband-per-species-scale-shift-1812476199653 (READ-ONLY COPY).

The authoritative reference and input builder live on the scoring server;
editing this copy changes nothing except your own understanding.
"""

import jax, jax.numpy as jnp
import numpy as np

NUM_TYPES = 64
N_ATOMS = 100000
N_GRAPHS = 16


def setup_inputs(seed: int = 0) -> dict:
    key = jax.random.key(seed)
    k1, k2, k3, k4, k5 = jax.random.split(key, 5)
    # per-atom scalar field (e.g. predicted per-atom energy), shape [N, 1]
    in_field = jax.random.normal(k1, (N_ATOMS, 1), dtype=jnp.float32)
    # per-atom species/type index
    species_idx = jax.random.randint(k2, (N_ATOMS, 1), 0, NUM_TYPES).astype(jnp.int32)
    # batch pointer over 16 graphs: ptr[0]=0, ptr[-1]=N_ATOMS, sorted interior
    interior = jnp.sort(jax.random.randint(k3, (N_GRAPHS - 1,), 0, N_ATOMS))
    ptr = jnp.concatenate([jnp.array([0], dtype=jnp.int32), interior.astype(jnp.int32), jnp.array([N_ATOMS], dtype=jnp.int32)])
    # learned per-species parameters: one dataset -> shape [1, num_types]
    scales = (1.0 + 0.1 * jax.random.normal(k4, (1, NUM_TYPES), dtype=jnp.float32))
    shifts = 0.05 * jax.random.normal(k5, (1, NUM_TYPES), dtype=jnp.float32)
    return {"in_field": in_field, "scales": scales, "shifts": shifts, "species_idx": species_idx, "ptr": ptr}


def reference(in_field, scales, shifts, species_idx, ptr):
    # dataset index per graph: default is zeros_like(ptr) (no DATASET_INDEX_KEY in data)
    ds_idcs = jnp.zeros((ptr.shape[0],), dtype=jnp.int32)
    counts = ptr[1:] - ptr[:-1]
    # dataset_idx = cat([ds_idx.repeat(ptr_last - ptr_first) for ...])
    dataset_idx = jnp.repeat(ds_idcs[:-1], counts, total_repeat_length=in_field.shape[0])
    # scales path: gather(self.scales[dataset_idx], dim=1, index=species_idx).view(-1,1) * in_field
    scale_rows = jnp.take(scales, dataset_idx, axis=0)          # [N, num_types]
    scale_g = jnp.take_along_axis(scale_rows, species_idx, axis=1).reshape(-1, 1)
    out = scale_g * in_field
    # shifts path: gather(self.shifts[dataset_idx], dim=1, index=species_idx).view(-1,1) + in_field
    shift_rows = jnp.take(shifts, dataset_idx, axis=0)          # [N, num_types]
    shift_g = jnp.take_along_axis(shift_rows, species_idx, axis=1).reshape(-1, 1)
    out = shift_g + out
    return out

if __name__ == "__main__":
    import jax
    _d = setup_inputs()
    print(jax.jit(kernel)(*tuple(_d.values())))

</pallas_src>

<mosaic_0001>
#map = affine_map<(d0, d1) -> (0, 0)>
module attributes {stable_mosaic.version = 14 : i64} {
  func.func @run(%arg0: i32, %arg1: i32, %arg2: memref<1x100000xf32, #tpu.memory_space<hbm>>, %arg3: memref<1x64xf32, #tpu.memory_space<hbm>>, %arg4: memref<1x64xf32, #tpu.memory_space<hbm>>, %arg5: memref<1x100000xi32, #tpu.memory_space<hbm>>, %arg6: memref<1x100000xf32, #tpu.memory_space<hbm>>, %arg7: memref<3136xi32, #tpu.memory_space<vmem>>, %arg8: memref<3136xf32, #tpu.memory_space<vmem>>, %arg9: memref<3136xf32, #tpu.memory_space<vmem>>, %arg10: memref<64xf32, #tpu.memory_space<vmem>>, %arg11: memref<64xf32, #tpu.memory_space<vmem>>, %arg12: memref<!tpu.dma_semaphore, #tpu.memory_space<semaphore_mem>>) attributes {dimension_semantics = [#tpu.dimension_semantics<core_parallel>, #tpu.dimension_semantics<subcore_parallel>], iteration_bounds = array<i64: 2, 16>, scalar_prefetch = 0 : i64, scratch_operands = 6 : i64, tpu.core_type = #tpu.core_type<sc_vector_subcore>, window_params = [{transform_indices = #map}, {transform_indices = #map}, {transform_indices = #map}, {transform_indices = #map}, {transform_indices = #map}]} {
    %mul3A = arith.constant 2 : i32
    %mul3A_0 = arith.muli %arg1, %mul3A : i32
    %add3A = arith.addi %mul3A_0, %arg0 : i32
    %mul3A_1 = arith.constant 3136 : i32
    %mul3A_2 = arith.muli %add3A, %mul3A_1 : i32
    %min3A = arith.constant 96864 : i32
    %min3A_3 = arith.minsi %mul3A_2, %min3A : i32
    %dma_start3A = arith.constant 0 : i32
    %dma_start3A_4 = tpu.memref_slice %arg5[%dma_start3A, %min3A_3] : memref<1x100000xi32, #tpu.memory_space<hbm>> -> memref<1x3136xi32, #tpu.memory_space<hbm>>
    %dma_start3A_5 = tpu.memref_squeeze %dma_start3A_4 : memref<1x3136xi32, #tpu.memory_space<hbm>> -> memref<3136xi32, #tpu.memory_space<hbm>>
    %dma_start3A_6 = tpu.memref_slice %arg5[%dma_start3A, %min3A_3] : memref<1x100000xi32, #tpu.memory_space<hbm>> -> memref<1x3136xi32, #tpu.memory_space<hbm>>
    %dma_start3A_7 = tpu.memref_squeeze %dma_start3A_6 : memref<1x3136xi32, #tpu.memory_space<hbm>> -> memref<3136xi32, #tpu.memory_space<hbm>>
    tpu.enqueue_dma source(%dma_start3A_7 : memref<3136xi32, #tpu.memory_space<hbm>>) target(%arg7 : memref<3136xi32, #tpu.memory_space<vmem>>) target_semaphore(%arg12 : memref<!tpu.dma_semaphore, #tpu.memory_space<semaphore_mem>>)
    %dma_start3A_8 = arith.constant 0 : i32
    %dma_start3A_9 = tpu.memref_slice %arg2[%dma_start3A_8, %min3A_3] : memref<1x100000xf32, #tpu.memory_space<hbm>> -> memref<1x3136xf32, #tpu.memory_space<hbm>>
    %dma_start3A_10 = tpu.memref_squeeze %dma_start3A_9 : memref<1x3136xf32, #tpu.memory_space<hbm>> -> memref<3136xf32, #tpu.memory_space<hbm>>
    %dma_start3A_11 = tpu.memref_slice %arg2[%dma_start3A_8, %min3A_3] : memref<1x100000xf32, #tpu.memory_space<hbm>> -> memref<1x3136xf32, #tpu.memory_space<hbm>>
    %dma_start3A_12 = tpu.memref_squeeze %dma_start3A_11 : memref<1x3136xf32, #tpu.memory_space<hbm>> -> memref<3136xf32, #tpu.memory_space<hbm>>
    tpu.enqueue_dma source(%dma_start3A_12 : memref<3136xf32, #tpu.memory_space<hbm>>) target(%arg8 : memref<3136xf32, #tpu.memory_space<vmem>>) target_semaphore(%arg12 : memref<!tpu.dma_semaphore, #tpu.memory_space<semaphore_mem>>)
    %dma_start3A_13 = arith.constant 0 : i32
    %dma_start3A_14 = arith.constant 0 : i32
    %dma_start3A_15 = tpu.memref_slice %arg3[%dma_start3A_13, %dma_start3A_14] : memref<1x64xf32, #tpu.memory_space<hbm>> -> memref<1x64xf32, #tpu.memory_space<hbm>>
    %dma_start3A_16 = tpu.memref_squeeze %dma_start3A_15 : memref<1x64xf32, #tpu.memory_space<hbm>> -> memref<64xf32, #tpu.memory_space<hbm>>
    %dma_start3A_17 = arith.constant 0 : i32
    %dma_start3A_18 = tpu.memref_slice %arg3[%dma_start3A_13, %dma_start3A_17] : memref<1x64xf32, #tpu.memory_space<hbm>> -> memref<1x64xf32, #tpu.memory_space<hbm>>
    %dma_start3A_19 = tpu.memref_squeeze %dma_start3A_18 : memref<1x64xf32, #tpu.memory_space<hbm>> -> memref<64xf32, #tpu.memory_space<hbm>>
    tpu.enqueue_dma source(%dma_start3A_19 : memref<64xf32, #tpu.memory_space<hbm>>) target(%arg10 : memref<64xf32, #tpu.memory_space<vmem>>) target_semaphore(%arg12 : memref<!tpu.dma_semaphore, #tpu.memory_space<semaphore_mem>>)
    %dma_start3A_20 = arith.constant 0 : i32
    %dma_start3A_21 = arith.constant 0 : i32
    %dma_start3A_22 = tpu.memref_slice %arg4[%dma_start3A_20, %dma_start3A_21] : memref<1x64xf32, #tpu.memory_space<hbm>> -> memref<1x64xf32, #tpu.memory_space<hbm>>
    %dma_start3A_23 = tpu.memref_squeeze %dma_start3A_22 : memref<1x64xf32, #tpu.memory_space<hbm>> -> memref<64xf32, #tpu.memory_space<hbm>>
    %dma_start3A_24 = arith.constant 0 : i32
    %dma_start3A_25 = tpu.memref_slice %arg4[%dma_start3A_20, %dma_start3A_24] : memref<1x64xf32, #tpu.memory_space<hbm>> -> memref<1x64xf32, #tpu.memory_space<hbm>>
    %dma_start3A_26 = tpu.memref_squeeze %dma_start3A_25 : memref<1x64xf32, #tpu.memory_space<hbm>> -> memref<64xf32, #tpu.memory_space<hbm>>
    tpu.enqueue_dma source(%dma_start3A_26 : memref<64xf32, #tpu.memory_space<hbm>>) target(%arg11 : memref<64xf32, #tpu.memory_space<vmem>>) target_semaphore(%arg12 : memref<!tpu.dma_semaphore, #tpu.memory_space<semaphore_mem>>)
    %dma_wait3A = arith.constant 0 : i32
    %dma_wait3A_27 = tpu.memref_slice %arg5[%dma_wait3A, %min3A_3] : memref<1x100000xi32, #tpu.memory_space<hbm>> -> memref<1x3136xi32, #tpu.memory_space<hbm>>
    %dma_wait3A_28 = tpu.memref_squeeze %dma_wait3A_27 : memref<1x3136xi32, #tpu.memory_space<hbm>> -> memref<3136xi32, #tpu.memory_space<hbm>>
    %dma_wait3A_29 = tpu.memref_slice %arg5[%dma_wait3A, %min3A_3] : memref<1x100000xi32, #tpu.memory_space<hbm>> -> memref<1x3136xi32, #tpu.memory_space<hbm>>
    %dma_wait3A_30 = tpu.memref_squeeze %dma_wait3A_29 : memref<1x3136xi32, #tpu.memory_space<hbm>> -> memref<3136xi32, #tpu.memory_space<hbm>>
    tpu.wait_dma2 semaphore(%arg12 : memref<!tpu.dma_semaphore, #tpu.memory_space<semaphore_mem>>) src(%dma_wait3A_30 : memref<3136xi32, #tpu.memory_space<hbm>>) dst(%arg7 : memref<3136xi32, #tpu.memory_space<vmem>>)
    %dma_wait3A_31 = arith.constant 0 : i32
    %dma_wait3A_32 = tpu.memref_slice %arg2[%dma_wait3A_31, %min3A_3] : memref<1x100000xf32, #tpu.memory_space<hbm>> -> memref<1x3136xf32, #tpu.memory_space<hbm>>
    %dma_wait3A_33 = tpu.memref_squeeze %dma_wait3A_32 : memref<1x3136xf32, #tpu.memory_space<hbm>> -> memref<3136xf32, #tpu.memory_space<hbm>>
    %dma_wait3A_34 = tpu.memref_slice %arg2[%dma_wait3A_31, %min3A_3] : memref<1x100000xf32, #tpu.memory_space<hbm>> -> memref<1x3136xf32, #tpu.memory_space<hbm>>
    %dma_wait3A_35 = tpu.memref_squeeze %dma_wait3A_34 : memref<1x3136xf32, #tpu.memory_space<hbm>> -> memref<3136xf32, #tpu.memory_space<hbm>>
    tpu.wait_dma2 semaphore(%arg12 : memref<!tpu.dma_semaphore, #tpu.memory_space<semaphore_mem>>) src(%dma_wait3A_35 : memref<3136xf32, #tpu.memory_space<hbm>>) dst(%arg8 : memref<3136xf32, #tpu.memory_space<vmem>>)
    %dma_wait3A_36 = arith.constant 0 : i32
    %dma_wait3A_37 = arith.constant 0 : i32
    %dma_wait3A_38 = tpu.memref_slice %arg3[%dma_wait3A_36, %dma_wait3A_37] : memref<1x64xf32, #tpu.memory_space<hbm>> -> memref<1x64xf32, #tpu.memory_space<hbm>>
    %dma_wait3A_39 = tpu.memref_squeeze %dma_wait3A_38 : memref<1x64xf32, #tpu.memory_space<hbm>> -> memref<64xf32, #tpu.memory_space<hbm>>
    %dma_wait3A_40 = arith.constant 0 : i32
    %dma_wait3A_41 = tpu.memref_slice %arg3[%dma_wait3A_36, %dma_wait3A_40] : memref<1x64xf32, #tpu.memory_space<hbm>> -> memref<1x64xf32, #tpu.memory_space<hbm>>
    %dma_wait3A_42 = tpu.memref_squeeze %dma_wait3A_41 : memref<1x64xf32, #tpu.memory_space<hbm>> -> memref<64xf32, #tpu.memory_space<hbm>>
    tpu.wait_dma2 semaphore(%arg12 : memref<!tpu.dma_semaphore, #tpu.memory_space<semaphore_mem>>) src(%dma_wait3A_42 : memref<64xf32, #tpu.memory_space<hbm>>) dst(%arg10 : memref<64xf32, #tpu.memory_space<vmem>>)
    %dma_wait3A_43 = arith.constant 0 : i32
    %dma_wait3A_44 = arith.constant 0 : i32
    %dma_wait3A_45 = tpu.memref_slice %arg4[%dma_wait3A_43, %dma_wait3A_44] : memref<1x64xf32, #tpu.memory_space<hbm>> -> memref<1x64xf32, #tpu.memory_space<hbm>>
    %dma_wait3A_46 = tpu.memref_squeeze %dma_wait3A_45 : memref<1x64xf32, #tpu.memory_space<hbm>> -> memref<64xf32, #tpu.memory_space<hbm>>
    %dma_wait3A_47 = arith.constant 0 : i32
    %dma_wait3A_48 = tpu.memref_slice %arg4[%dma_wait3A_43, %dma_wait3A_47] : memref<1x64xf32, #tpu.memory_space<hbm>> -> memref<1x64xf32, #tpu.memory_space<hbm>>
    %dma_wait3A_49 = tpu.memref_squeeze %dma_wait3A_48 : memref<1x64xf32, #tpu.memory_space<hbm>> -> memref<64xf32, #tpu.memory_space<hbm>>
    tpu.wait_dma2 semaphore(%arg12 : memref<!tpu.dma_semaphore, #tpu.memory_space<semaphore_mem>>) src(%dma_wait3A_49 : memref<64xf32, #tpu.memory_space<hbm>>) dst(%arg11 : memref<64xf32, #tpu.memory_space<vmem>>)
    %scan3A = arith.constant 0 : i32
    %scan3A_50 = arith.constant 0 : i32
    %scan3A_51 = arith.constant 196 : i32
    %scan3A_52 = arith.addi %scan3A_50, %scan3A_51 : i32
    %scan3A_53 = arith.constant 1 : i32
    scf.for %scan3A_55 = %scan3A_50 to %scan3A_52 step %scan3A_53  : i32 {
      %mul3A_56 = arith.constant 16 : i32
      %mul3A_57 = arith.muli %scan3A_55, %mul3A_56 : i32
      %get3A = arith.index_cast %mul3A_57 : i32 to index
      %get3A_58 = tpu.vector_load %arg7[%get3A] {strides = array<i32>} : memref<3136xi32, #tpu.memory_space<vmem>>, vector<16xi32>,
      %gather3A = tpu.vector_load_idx %arg10[%get3A_58] : memref<64xf32, #tpu.memory_space<vmem>>[vector<16xi32>], vector<16xf32>,
      %gather3A_59 = tpu.vector_load_idx %arg11[%get3A_58] : memref<64xf32, #tpu.memory_space<vmem>>[vector<16xi32>], vector<16xf32>,
      %get3A_60 = arith.index_cast %mul3A_57 : i32 to index
      %get3A_61 = tpu.vector_load %arg8[%get3A_60] {strides = array<i32>} : memref<3136xf32, #tpu.memory_space<vmem>>, vector<16xf32>,
      %mul3A_62 = arith.mulf %gather3A, %get3A_61 : vector<16xf32>
      %add3A_63 = arith.addf %mul3A_62, %gather3A_59 : vector<16xf32>
      %swap3A = arith.index_cast %mul3A_57 : i32 to index
      %swap3A_64 = tpu.vector_load %arg9[%swap3A] {strides = array<i32>} : memref<3136xf32, #tpu.memory_space<vmem>>, vector<16xf32>,
      tpu.vector_store %arg9[%swap3A], %add3A_63 {strides = array<i32>} : memref<3136xf32, #tpu.memory_space<vmem>>, vector<16xf32>,
    }
    %scan3A_54 = arith.constant 196 : i32
    %run_scoped3A = arith.constant 0 : i32
    "tpu.region"() ({
      %run_scoped3A_55 = tpu.sem_alloc : memref<!tpu.dma_semaphore, #tpu.memory_space<semaphore_mem>>
      %dma_start3A_56 = tpu.memref_slice %arg6[%run_scoped3A, %min3A_3] : memref<1x100000xf32, #tpu.memory_space<hbm>> -> memref<1x3136xf32, #tpu.memory_space<hbm>>
      %dma_start3A_57 = tpu.memref_squeeze %dma_start3A_56 : memref<1x3136xf32, #tpu.memory_space<hbm>> -> memref<3136xf32, #tpu.memory_space<hbm>>
      %dma_start3A_58 = tpu.memref_slice %arg6[%run_scoped3A, %min3A_3] : memref<1x100000xf32, #tpu.memory_space<hbm>> -> memref<1x3136xf32, #tpu.memory_space<hbm>>
      %dma_start3A_59 = tpu.memref_squeeze %dma_start3A_58 : memref<1x3136xf32, #tpu.memory_space<hbm>> -> memref<3136xf32, #tpu.memory_space<hbm>>
      tpu.enqueue_dma source(%arg9 : memref<3136xf32, #tpu.memory_space<vmem>>) target(%dma_start3A_59 : memref<3136xf32, #tpu.memory_space<hbm>>) target_semaphore(%run_scoped3A_55 : memref<!tpu.dma_semaphore, #tpu.memory_space<semaphore_mem>>)
      %dma_wait3A_60 = tpu.memref_slice %arg6[%run_scoped3A, %min3A_3] : memref<1x100000xf32, #tpu.memory_space<hbm>> -> memref<1x3136xf32, #tpu.memory_space<hbm>>
      %dma_wait3A_61 = tpu.memref_squeeze %dma_wait3A_60 : memref<1x3136xf32, #tpu.memory_space<hbm>> -> memref<3136xf32, #tpu.memory_space<hbm>>
      %dma_wait3A_62 = tpu.memref_slice %arg6[%run_scoped3A, %min3A_3] : memref<1x100000xf32, #tpu.memory_space<hbm>> -> memref<1x3136xf32, #tpu.memory_space<hbm>>
      %dma_wait3A_63 = tpu.memref_squeeze %dma_wait3A_62 : memref<1x3136xf32, #tpu.memory_space<hbm>> -> memref<3136xf32, #tpu.memory_space<hbm>>
      tpu.wait_dma2 semaphore(%run_scoped3A_55 : memref<!tpu.dma_semaphore, #tpu.memory_space<semaphore_mem>>) src(%arg9 : memref<3136xf32, #tpu.memory_space<vmem>>) dst(%dma_wait3A_63 : memref<3136xf32, #tpu.memory_space<hbm>>)
      tpu.yield
    }) : () -> ()
    return
  }
}

</mosaic_0001>

<sc_bundles>
// kernel: kernel.3.cloned.1.call-start
scs
__scs_entry_jumppad:
0x0: {  	(pc) =	sbr.rel $0x88, $3  }
0x1: {  	(tag) =	ssettag $0x0;
	lr =	simm.s32 $0x1  }
0x2: {  	[smem:$0x3F9D] =	sst lr;
	_ =	strace $0xD0000000  }
0x3: {  	_ = 	snop  }
0x4: {  	_ = 	snop  }
0x5: {  	_ = 	snop  }
0x6: {  	_ = 	snop  }
0x7: {  	_ = 	snop  }
__scs_overlays_trampoline_lowered:
0x8: {  	[smem:$0x3FAC] =	sst s0  }
0x9: {  	[smem:$0x3FAD] =	sst s1  }
0xa: {  	[smem:$0x3FAE] =	sst s2  }
0xb: {  	[smem:$0x3FAF] =	sst s3  }
0xc: {  	[smem:$0x3FB0] =	sst s4  }
0xd: {  	[smem:$0x3FB1] =	sst s5  }
0xe: {  	[smem:$0x3FB2] =	sst s6  }
0xf: {  	[smem:$0x3FB3] =	sst s7  }
0x10: {  	[smem:$0x3FB4] =	sst s8  }
0x11: {  	[smem:$0x3FB5] =	sst s9;
	s0 =	simm.s32 @!p0 $0x0  }
0x12: {  	s1 =	sld [smem:$0x3F9B];
	s0 =	simm.s32 @p0 $0x1  }
0x13: {  	[smem:$0x3FB6] =	sst s0;
	s0 =	simm.s32 @!p1 $0x0  }
0x14: {  	s2 =	sld [smem:$0x3F9A];
	s0 =	simm.s32 @p1 $0x1  }
0x15: {  	[smem:$0x3FB7] =	sst s0;
	s0 =	simm.s32 @!p2 $0x0  }
0x16: {  	s3 =	sld [smem:$0x3FDB];
	s0 =	simm.s32 @p2 $0x1  }
0x17: {  	s4 =	simm.s32 $0x1BF5;
	[smem:$0x3FB9] =	sst s0  }
0x18: {  	s0 =	sld [smem:$0x3F9C];
	_ =	swait.ge [sflag:s4], $0x0  }
0x19: {  	s7 =	sld [smem:$0x3F9D]  }
0x1a: {  	s8 =	sadd.s32 $0xFFFFE003, lr  }
0x1b: {  	s9 =	sadd.s32 $0xFFFFFEF7, lr;
	s5 =	simm.s32 $0xFFFFFFFF;
	p2 =	slt.u32 s8, $0xFFFFF086  }
0x1c: {  	p1 =	slt.u32 s9, $0xF7A;
	s5 =	simm.s32 @!p2 $0x0  }
0x1d: {  	s5 =	simm.s32 @p1 $0x1;
	p0 =	seq.s32 s7, s2  }
0x1e: {  	s7 =	smul.u32 @!p0 $0xF7A, s2;
	p2 =	seq.s32 @!p0 s5, $0x0  }
0x1f: {  	s9 =	smul.u32 $0xF7A, s1;
	s8 =	simm.s32 @!p0 $0x1BF5;
	p2 =	por !p2, p0  }
0x20: {  	[sflag:s8] =	ssyncset.s32 @!p0 $0xFFFFF086;
	s6 =	sadd.s32 @!p0 s3, s7;
	s7 =	simm.s32 @!p0 $0x108  }
0x21: {  	s3 =	sadd.s32 s3, s9;
	s6 =	sadd.s32 @!p0 $0x88, s6;
	s7 =	simm.s32 @p2 $0x1082  }
0x22: {  	[simem:s7], [sflag:s8] =	dma.local @!p0 [hbm:s6], $0xF7A  }
0x23: {  	s9 =	sor.u32 $0xD0000000, s2;
	s6 =	simm.s32 $0x108;
	_ =	swait.ge @!p0 [sflag:s8], $0x0  }
0x24: {  	s3 =	sadd.s32 $0x88, s3;
	s6 =	simm.s32 @!p1 $0x1082;
	[sflag:s4] =	ssyncset.s32 $0xFFFFF086  }
0x25: {  	[simem:s6], [sflag:s4] =	dma.local [hbm:s3], $0xF7A  }
0x26: {  	[smem:$0x3F9D] =	sst s1;
	(tag) =	ssettag s2;
	_ =	strace s9  }
0x27: {  	s1 =	sld [smem:$0x3FAD]  }
0x28: {  	s2 =	sld [smem:$0x3FAE]  }
0x29: {  	s4 =	sld [smem:$0x3FB0]  }
0x2a: {  	p0 =	seq.s32 s5, $0x0;
	s5 =	sld [smem:$0x3FB1]  }
0x2b: {  	s6 =	sld [smem:$0x3FB2]  }
0x2c: {  	s7 =	sld [smem:$0x3FB3]  }
0x2d: {  	s3 =	simm.s32 $0x108;
	s8 =	sld [smem:$0x3FB4]  }
0x2e: {  	s3 =	simm.s32 @!p0 $0x1082;
	s9 =	sld [smem:$0x3FB5]  }
0x2f: {  	lr =	sadd.s32 s0, s3;
	s0 =	sld [smem:$0x3FAC]  }
0x30: {  	s3 =	sld [smem:$0x3FAF]  }
0x31: {  	[smem:$0x3FB8] =	sst s10  }
0x32: {  	s10 =	sld [smem:$0x3FB6];
	_ =	sdelay $0x3  }
0x33: {  	p0 =	seq.s32 s10, $0x1;
	s10 =	sld [smem:$0x3FB8];
	_ =	sdelay $0x3  }
0x34: {  	[smem:$0x3FB8] =	sst s10  }
0x35: {  	s10 =	sld [smem:$0x3FB7];
	_ =	sdelay $0x3  }
0x36: {  	p1 =	seq.s32 s10, $0x1;
	s10 =	sld [smem:$0x3FB8];
	_ =	sdelay $0x3  }
0x37: {  	[smem:$0x3FB8] =	sst s10  }
0x38: {  	s10 =	sld [smem:$0x3FB9]  }
0x39: {  	_ = 	snop;
	(pc) =	sbr.ind lr, $3  }
0x3a: {  	_ = 	snop  }
0x3b: {  	_ = 	snop  }
0x3c: {  	p2 =	seq.s32 s10, $0x1;
	s10 =	sld [smem:$0x3FB8]  }
0x3d: {  	_ =	shalt  }
0x3e: {  	_ =	shalt  }
0x3f: {  	_ =	shalt  }
0x40: {  	_ =	shalt  }
0x41: {  	_ =	shalt  }
0x42: {  	_ =	shalt  }
0x43: {  	_ =	shalt  }
0x44: {  	_ =	shalt  }
0x45: {  	_ =	shalt  }
0x46: {  	_ =	shalt  }
0x47: {  	_ =	shalt  }
0x48: {  	_ =	shalt  }
0x49: {  	_ =	shalt  }
0x4a: {  	_ =	shalt  }
0x4b: {  	_ =	shalt  }
0x4c: {  	_ =	shalt  }
0x4d: {  	_ =	shalt  }
0x4e: {  	_ =	shalt  }
0x4f: {  	_ =	shalt  }
0x50: {  	_ =	shalt  }
0x51: {  	_ =	shalt  }
0x52: {  	_ =	shalt  }
0x53: {  	_ =	shalt  }
0x54: {  	_ =	shalt  }
0x55: {  	_ =	shalt  }
0x56: {  	_ =	shalt  }
0x57: {  	_ =	shalt  }
0x58: {  	_ =	shalt  }
0x59: {  	_ =	shalt  }
0x5a: {  	_ =	shalt  }
0x5b: {  	_ =	shalt  }
0x5c: {  	_ =	shalt  }
0x5d: {  	_ =	shalt  }
0x5e: {  	_ =	shalt  }
0x5f: {  	_ =	shalt  }
0x60: {  	_ =	shalt  }
0x61: {  	_ =	shalt  }
0x62: {  	_ =	shalt  }
0x63: {  	_ =	shalt  }
0x64: {  	_ =	shalt  }
0x65: {  	_ =	shalt  }
0x66: {  	_ =	shalt  }
0x67: {  	_ =	shalt  }
0x68: {  	_ =	shalt  }
0x69: {  	_ =	shalt  }
0x6a: {  	_ =	shalt  }
0x6b: {  	_ =	shalt  }
0x6c: {  	_ =	shalt  }
0x6d: {  	_ =	shalt  }
0x6e: {  	_ =	shalt  }
0x6f: {  	_ =	shalt  }
0x70: {  	_ =	shalt  }
0x71: {  	_ =	shalt  }
0x72: {  	_ =	shalt  }
0x73: {  	_ =	shalt  }
0x74: {  	_ =	shalt  }
0x75: {  	_ =	shalt  }
0x76: {  	_ =	shalt  }
0x77: {  	_ =	shalt  }
0x78: {  	_ =	shalt  }
0x79: {  	_ =	shalt  }
0x7a: {  	_ =	shalt  }
0x7b: {  	_ =	shalt  }
0x7c: {  	_ =	shalt  }
0x7d: {  	_ =	shalt  }
0x7e: {  	_ =	shalt  }
0x7f: {  	_ =	shalt  }
0x80: {  	_ =	shalt  }
0x81: {  	_ =	shalt  }
0x82: {  	_ =	shalt  }
0x83: {  	_ =	shalt  }
0x84: {  	_ =	shalt  }
0x85: {  	_ =	shalt  }
0x86: {  	_ =	shalt  }
0x87: {  	_ =	shalt  }
.Lfunc_end0:
.L_simem_size_0:
called_computation_lowered:
.L_overlay_start_0:
0x88: {  	s2 =	sld [smem:$0x3FD9]  }
0x89: {  	s3 =	sld [smem:$0x3FFE];
	_ =	sdelay $0x1  }
0x8a: {  	s1 =	srdreg.scid  }
0x8b: {  	s0 =	sand.u32 $0x1, s1  }
0x8c: {  	s17 =	sshll.u32 s0, $0xA;
	s2 =	sadd.s32 s3, s2  }
0x8d: {  	s2 =	sadd.s32 s2, s17  }
0x8e: {  	[smem:$0x3FC4] =	sst s2  }
0x8f: {  	_ = 	snop  }
0x90: {  	s2 =	sld [smem:$0x3FC8]  }
0x91: {  	s18 =	sld [smem:$0x3FC7];
	(tm) =	ssettm $0x1  }
0x92: {  	s4 =	sld [smem:$0x3FFB];
	_ =	sdelay $0x3  }
0x93: {  	_ =	strace s4  }
0x94: {  	s4 =	sld [smem:$0x3FFC];
	_ =	sdelay $0x3  }
0x95: {  	_ =	strace s4  }
0x96: {  	s4 =	sld [smem:$0x3FFD];
	_ =	sdelay $0x3  }
0x97: {  	_ =	strace s4  }
0x98: {  	_ =	strace $0x8FFFFFFF  }
0x99: {  	s19 =	sld [smem:$0x3FDB];
	_ =	sdelay $0x1  }
0x9a: {  	s5 =	simm.s32 $_scs_section_size  }
0x9b: {  	s6 =	simm.s32 $_size__tile_overlayer_lowered;
	s7 =	simm.s32 $_tile_overlayer_lowered  }
0x9c: {  	s22 =	simm.s32 $0x1BFF;
	s21 =	sshll.u32 s7, $0x1;
	s4 =	sadd.s32 s5, s19  }
0x9d: {  	s8 =	simm.s32 $0x0;
	s20 =	sshll.u32 s6, $0x1;
	s6 =	sadd.s32 s21, s4  }
0x9e: {  	[timem:s8], [sflag:s22] =	dma.local [hbm:s6], s20  }
0x9f: {  	_ =	swait.ge [sflag:s22], s20  }
0xa0: {  	s5 =	ssub.s32 $0x0, s20;
	[sflag:s22] =	ssyncset.done $0x0  }
0xa1: {  	[sflag:s22] =	ssyncadd.s32 s5;
	_ =	sdelay $0x1  }
0xa2: {  	s23 =	simm.s32 $0x1B8B  }
0xa3: {  	_ =	swait.ge [sflag:s23], $0x1  }
0xa4: {  	[sflag:s23] =	ssyncset.done $0x0  }
0xa5: {  	s25 =	simm.s32 $0x1B8E;
	s24 =	sld [smem:$0x3FFE];
	[sflag:s23] =	ssyncadd.s32 $0xFFFFFFFF  }
0xa6: {  	s26 =	simm.s32 $execute0_lowered;
	[smem:$0x3FD2] =	sst s25  }
0xa7: {  	s6 =	sshll.u32 s26, $0x1;
	_ =	strace $0x80000046;
	[dreg:$0x1] =	wrdreg $0xFFFFFFFF  }
0xa8: {  	s28 =	simm.s32 $_size_execute0_lowered;
	s4 =	sadd.s32 s4, s6;
	[dreg:$0x0] =	wrdreg $0x0  }
0xa9: {  	s6 =	sshll.u32 s28, $0x1;
	[dreg:$0x2] =	wrdreg s4  }
0xaa: {  	[dreg:$0x3] =	wrdreg s6  }
0xab: {  	[dreg:$0x4] =	wrdreg $0xC0  }
0xac: {  	_ =	task [dreg:s8], $0x5FFFF  }
0xad: {  	[dreg:$0x1] =	wrdreg $0xFFFFFFFF  }
0xae: {  	[dreg:$0x0] =	wrdreg $0x60  }
0xaf: {  	[dreg:$0x2] =	wrdreg s24  }
0xb0: {  	[dreg:$0x3] =	wrdreg s2  }
0xb1: {  	[dreg:$0x4] =	wrdreg s18  }
0xb2: {  	[dreg:$0x5] =	wrdreg $0x9  }
0xb3: {  	_ =	task.clear_ibuf [dreg:s8], $0x6FFFF;
	_ =	strace $0x90000046  }
0xb4: {  	s29 =	simm.s32 $0x9;
	_ =	strace $0x80000048  }
0xb5: {  	_ =	swait.ge [sflag:s29], $0x1  }
0xb6: {  	[sflag:s29] =	ssyncadd.s32 $0xFFFFFFFF  }
0xb7: {  	_ =	strace $0x90000048  }
0xb8: {  	_ =	sfence  }
0xb9: {  	s30 =	sld [smem:$0x0];
	_ =	sdelay $0x2  }
0xba: {  	s31 =	sshll.u32 s1, $0xD;
	s1 =	sshrl.u32 s1, $0x2  }
0xbb: {  	s3 =	sand.u32 $0x4000, s31;
	s1 =	sadd.s32 s1, s30  }
0xbc: {  	s0 =	sor.u32 s3, s0;
	s1 =	sshll.u32 s1, $0x11  }
0xbd: {  	s0 =	sor.u32 s1, s0  }
0xbe: {  	s0 =	sadd.s32 $0x8F2B, s0  }
0xbf: {  	[sflag:s0] =	ssyncadd.remote.s32 $0x1  }
0xc0: {  	_ =	sfence.sel $0xFFFF  }
0xc1: {  	[dreg:$0x0] =	wrdreg $0xFFFFFFFF;
	(pc) =	sbr.abs _section_cstart, $3  }
0xc2: {  	[dreg:$0x1] =	wrdreg $0xFFFFFFFF  }
0xc3: {  	_ =	task.clear_ibuf [dreg:s8], $0x2FFFF;
	_ =	strace $0x9FFFFFFF  }
0xc4: {  	(tm) =	ssettm $0x7FFFFFFF  }
0xc5: {  	_ =	shalt  }
tec
execute0_lowered:
.L_overlay_start_1:
0x0: {  	(tag) =	ssettag $0x1  }
0x1: {  	s6 =	rddreg [dreg:$0x0]  }
0x2: {  	s1 =	srdreg.scid;
	s2 =	rddreg [dreg:$0x1]  }
0x3: {  	s0 =	stileid.u32;
	s3 =	rddreg [dreg:$0x2]  }
0x4: {  	s9 =	simm.s32 $0xC40;
	s5 =	sand.u32 $0x1, s1;
	s29 =	sshll.u32 s0, $0x1  }
0x5: {  	s10 =	simm.s32 $0x24C0;
	s11 =	simm.s32 $0x2500;
	s1 =	sor.u32 s5, s29  }
0x6: {  	s12 =	simm.s32 $0x1;
	s13 =	simm.s32 $0x1880;
	s4 =	smul.u32 $0xC40, s1  }
0x7: {  	s14 =	simm.s32 $0x2;
	s15 =	simm.s32 $0x0;
	s8 =	ssub.s32 $0x2, s5  }
0x8: {  	s1 =	rddreg [dreg:$0x3];
	s31 =	sshrl.u32 s8, $0x1;
	s7 =	smin.u32 s4, $0x17A60  }
0x9: {  	s8 =	ssub.s32 s8, s31;
	s4 =	simm.s32 $0x0;
	s30 =	sshrl.u32 s7, $0x3  }
0xa: {  	s8 =	smax.u32 s8, $0x1;
	[smem:$0x7FF] =	sst s4;
	s5 =	sadd.s32 s6, s30  }
0xb: {  	_ =	strace $0x80000047;
	s6 =	sadd.s32 $0x3200, s5;
	s7 =	sadd.s32 $0x6400, s5  }
.LBB2_1:
0xc: {  	[tilespmem:s4], [sflag:$0x1] =	stream.linear.gather [hbm4b:s6+s4], $0xC40, $0x38;
	[tilespmem:$0x2540] =	vst v63  }
0xd: {  	_ = 	snop  }
0xe: {  	[tilespmem:s9], [sflag:$0x1] =	stream.linear.gather [hbm4b:s5+s4], $0xC40, $0x38;
	[tilespmem:$0x2540] =	vst v63  }
0xf: {  	_ = 	snop  }
0x10: {  	[tilespmem:s10], [sflag:$0x1] =	stream.linear.gather [hbm4b:s2+s4], $0x40, $0x38;
	[tilespmem:$0x2540] =	vst v63  }
0x11: {  	_ = 	snop  }
0x12: {  	[tilespmem:s11], [sflag:$0x1] =	stream.linear.gather [hbm4b:s3+s4], $0x40, $0x38;
	[tilespmem:$0x2540] =	vst v63  }
0x13: {  	_ =	swait.ge [sflag:s12], $0xC40  }
0x14: {  	[sflag:s12] =	ssyncset.done $0x0  }
0x15: {  	[sflag:s12] =	ssyncadd.s32 $0xFFFFF3C0  }
0x16: {  	_ =	swait.ge [sflag:s12], $0xC40  }
0x17: {  	[sflag:s12] =	ssyncset.done $0x0  }
0x18: {  	[sflag:s12] =	ssyncadd.s32 $0xFFFFF3C0  }
0x19: {  	_ =	swait.ge [sflag:s12], $0x40  }
0x1a: {  	[sflag:s12] =	ssyncset.done $0x0  }
0x1b: {  	[sflag:s12] =	ssyncadd.s32 $0xFFFFFFC0  }
0x1c: {  	_ =	swait.ge [sflag:s12], $0x40  }
0x1d: {  	[sflag:s12] =	ssyncset.done $0x0  }
0x1e: {  	s16 =	simm.s32 $0x0;
	[sflag:s12] =	ssyncadd.s32 $0xFFFFFFC0  }
0x1f: {  	v2 =	vld [tilespmem:s16+$0x0];
	_ =	sdelay $0x6  }
0x20: {  	v1 =	vld [tilespmem:s16+$0xC40]  }
0x21: {  	v0 =	vld.idx.msk [tilespmem:v2+s10+$0x0], $0xffff  }
0x22: {  	s17 =	simm.s32 $0x10;
	s18 =	simm.s32 $0x80;
	v2 =	vld.idx.msk [tilespmem:v2+s11+$0x0], $0xffff  }
.LBB2_2:
0x23: {  	p0 =	sne.s32 s18, $0x30C0;
	v3 =	vld [tilespmem:s17+$0x0];
	_ =	sdelay $0x2  }
0x24: {  	v0 =	vmul.f32 v1, v0;
	_ =	sdelay $0x1  }
0x25: {  	v0 =	vadd.f32 v0, v2  }
.Ltmp0:
0x26: {  	(pc) =	sbr.rel @p0 .LBB2_2-.Ltmp0, $4  }
0x27: {  	[tilespmem:s16+$0x1880] =	vst v0;
	s16 =	smov.u32 s17  }
0x28: {  	v0 =	vld.idx.msk [tilespmem:v3+s10+$0x0], $0xffff  }
0x29: {  	v1 =	vld [tilespmem:s16+$0xC40]  }
0x2a: {  	s17 =	sshra.s32 s18, $0x2;
	s18 =	sadd.s32 $0x40, s18;
	v2 =	vld.idx.msk [tilespmem:v3+s11+$0x0], $0xffff  }
0x2b: {  	v3 =	vld [tilespmem:s17+$0x0];
	_ =	sdelay $0x2  }
0x2c: {  	v0 =	vmul.f32 v1, v0;
	_ =	sdelay $0x1  }
0x2d: {  	v0 =	vadd.f32 v0, v2;
	_ =	sdelay $0x1  }
0x2e: {  	[tilespmem:s16+$0x1880] =	vst v0  }
0x2f: {  	v0 =	vld.idx.msk [tilespmem:v3+s10+$0x0], $0xffff  }
0x30: {  	v62 =	vld [tilespmem:s17+$0xC40];
	_ =	sdelay $0x1  }
0x31: {  	v63 =	vld.idx.msk [tilespmem:v3+s11+$0x0], $0xffff;
	_ =	sdelay $0x2  }
0x32: {  	v0 =	vmul.f32 v62, v0;
	_ =	sdelay $0x1  }
0x33: {  	s15 =	sadd.s32 $0x1, s15;
	v0 =	vadd.f32 v0, v63  }
0x34: {  	p0 =	sne.s32 s15, s8  }
.Ltmp1:
0x35: {  	[tilespmem:s17+$0x1880] =	vst v0;
	(pc) =	sbr.rel @p0 .LBB2_1-.Ltmp1, $4  }
0x36: {  	[hbm4b:s7+s4] =	stream.linear.scatter [tilespmem:s13], [sflag:$0x2], $0xC40, $0x38;
	[tilespmem:$0x2540] =	vst v63  }
0x37: {  	_ =	swait.ge [sflag:s14], $0xC40  }
0x38: {  	[sflag:s14] =	ssyncset.done $0x0  }
0x39: {  	[sflag:s14] =	ssyncadd.s32 $0xFFFFF3C0  }
0x3a: {  	_ =	sfence.sel $0x180000  }
0x3b: {  	[bflag:$0x0] =	sbarrier.arrive $0xFFFF  }
0x3c: {  	p0 =	sne.s32 s0, $0x0;
	_ =	strace $0x90000047  }
0x3d: {  	s0 =	sadd.s32 @!p0 $0x100000, s1;
	[bflag:$0x2] =	sbarrier.arrive $0xFFFF  }
0x3e: {  	[sflag:s0] =	ssyncadd.tile.s32 @!p0 $0x1;
	_ =	shalt  }
.Lfunc_end2:
_tile_overlayer_lowered:
.L_overlay_start_2:
0x3f: {  	(tag) =	ssettag $0x2  }
0x40: {  	s0 =	rddreg [dreg:$0x0];
	s2 =	stileid.u32  }
0x41: {  	s1 =	rddreg [dreg:$0x1];
	p0 =	sne.s32 s2, $0x0  }
0x42: {  	s3 =	rddreg [dreg:$0x2];
	[bflag:$0x3] =	sbarrier.arrive $0xFFFF;
	s2 =	simm.s32 @!p0 $0x1C02  }
0x43: {  	[timem:s3], [sflag:s2] =	dma.local @!p0 [hbm:s0], s1  }
0x44: {  	s0 =	simm.s32 @!p0 $0x2  }
0x45: {  	_ =	swait.ge @!p0 [sflag:s0], s1  }
0x46: {  	s1 =	ssub.s32 @!p0 $0x0, s1;
	[sflag:s0] =	ssyncset.done @!p0 $0x0  }
0x47: {  	[sflag:s0] =	ssyncadd.s32 @!p0 s1  }
0x48: {  	[bflag:$0x3] =	sbarrier.arrive $0xFFFF  }
0x49: {  	_ =	shalt  }

</sc_bundles>
